<compile_context>
chip_gen: v7x
topology: tpu7x:2x2x1
jax: 0.10.2.dev20260603
libtpu: 0.0.44.dev20260713+nightly
codegen_flags: <defaults>
</compile_context>

<pallas_src>
import functools

import jax
import jax.numpy as jnp
from jax import lax
from jax.experimental import pallas as pl
from jax.experimental.pallas import tpu as pltpu
from jax.experimental.pallas import tpu_sc as plsc

K = 128
T = 512
LANES = 16


def _lookup_body(x_hbm, et_hbm, mul_hbm, bias_hbm, out_hbm,
                 x_v, et_v, xx_v, mul_v, bias_v, sem_x, sem_et, sem_t, sem_o,
                 *, chunk, num_cores):
    wid = lax.axis_index("s") * num_cores + lax.axis_index("c")
    base = wid * chunk
    half = chunk // 2
    cp_x0 = pltpu.async_copy(x_hbm.at[pl.ds(base, half)],
                             x_v.at[pl.ds(0, half)], sem_x)
    cp_et0 = pltpu.async_copy(et_hbm.at[pl.ds(base, half)],
                              et_v.at[pl.ds(0, half)], sem_et)
    cp_m = pltpu.async_copy(mul_hbm, mul_v, sem_t)
    cp_b = pltpu.async_copy(bias_hbm, bias_v, sem_t)
    cp_x1 = pltpu.async_copy(x_hbm.at[pl.ds(base + half, half)],
                             x_v.at[pl.ds(half, half)], sem_x)
    cp_et1 = pltpu.async_copy(et_hbm.at[pl.ds(base + half, half)],
                              et_v.at[pl.ds(half, half)], sem_et)
    cp_m.wait()
    cp_b.wait()
    cp_x0.wait()
    cp_et0.wait()

    @plsc.parallel_loop(0, half, LANES, unroll=8)
    def body0(i):
        sl = pl.ds(i, LANES)
        idx = et_v[sl]
        m = plsc.load_gather(mul_v, [idx])
        b = plsc.load_gather(bias_v, [idx])
        xx_v[sl] = m * x_v[sl] + b

    cp_o0 = pltpu.async_copy(xx_v.at[pl.ds(0, half)],
                             out_hbm.at[pl.ds(base, half)], sem_o)
    cp_x1.wait()
    cp_et1.wait()

    @plsc.parallel_loop(half, chunk, LANES, unroll=8)
    def body1(i):
        sl = pl.ds(i, LANES)
        idx = et_v[sl]
        m = plsc.load_gather(mul_v, [idx])
        b = plsc.load_gather(bias_v, [idx])
        xx_v[sl] = m * x_v[sl] + b

    cp_o0.wait()
    pltpu.sync_copy(xx_v.at[pl.ds(half, half)],
                    out_hbm.at[pl.ds(base + half, half)])


def _sc_lookup(x, et, mul_w, bias_w):
    E = x.shape[0]
    try:
        info = plsc.get_sparse_core_info()
        nc, ns = info.num_cores, info.num_subcores
    except ValueError:
        nc, ns = 2, 16
    nw = nc * ns
    chunk = E // nw
    assert E % (nw * LANES) == 0 and chunk % 8 == 0
    mesh = plsc.VectorSubcoreMesh(core_axis_name="c", subcore_axis_name="s",
                                  num_cores=nc, num_subcores=ns)
    fn = functools.partial(
        pl.kernel,
        out_type=jax.ShapeDtypeStruct((E,), jnp.float32),
        mesh=mesh,
        name="sc_affine_lookup",
        compiler_params=pltpu.CompilerParams(needs_layout_passes=False),
        scratch_types=[
            pltpu.VMEM((chunk,), jnp.float32),
            pltpu.VMEM((chunk,), jnp.int32),
            pltpu.VMEM((chunk,), jnp.float32),
            pltpu.VMEM((T,), jnp.float32),
            pltpu.VMEM((T,), jnp.float32),
            pltpu.SemaphoreType.DMA,
            pltpu.SemaphoreType.DMA,
            pltpu.SemaphoreType.DMA,
            pltpu.SemaphoreType.DMA,
        ],
    )(functools.partial(_lookup_body, chunk=chunk, num_cores=nc))
    return fn(x, et, mul_w, bias_w)


def _rbf_body(xx_ref, means_ref, temps_ref, out_ref, *, block):
    m = means_ref[:]
    t = jnp.abs(temps_ref[:])
    log2e = jnp.float32(1.4426950408889634)
    tl = t * log2e
    c = -tl
    b = 2.0 * tl * m
    a = -tl * m * m
    xx = xx_ref[:]
    xxb = jnp.broadcast_to(xx[:, None], (block, K))
    z = xxb * (c[None, :] * xxb + b[None, :]) + a[None, :]
    out_ref[:, :] = jnp.exp2(z)


def kernel(x, edge_types, means, temps, mul_weight, bias_weight):
    E = x.shape[0]
    xx = _sc_lookup(x, edge_types.astype(jnp.int32),
                    mul_weight.reshape(-1), bias_weight.reshape(-1))
    B = 25600
    assert E % B == 0
    out = pl.pallas_call(
        functools.partial(_rbf_body, block=B),
        grid=(E // B,),
        in_specs=[
            pl.BlockSpec((B,), lambda i: (i,)),
            pl.BlockSpec((K,), lambda i: (0,)),
            pl.BlockSpec((K,), lambda i: (0,)),
        ],
        out_specs=pl.BlockSpec((B, K), lambda i: (i, 0)),
        out_shape=jax.ShapeDtypeStruct((E, K), jnp.float32),
        compiler_params=pltpu.CompilerParams(
            dimension_semantics=("arbitrary",)),
    )(xx, means, temps)
    return out.astype(means.dtype)

# --- scband reference (transcript-rebuilt; emitter-appended) ---
"""Pipeline reference for scband-rbf-54941221650649 (READ-ONLY COPY).

The authoritative reference and input builder live on the scoring server;
editing this copy changes nothing except your own understanding.
"""

import jax, jax.numpy as jnp
import numpy as np

E = 640000
K = 128
EDGE_TYPES = 512

def setup_inputs(seed: int = 0) -> dict:
    key = jax.random.key(seed)
    k1, k2, k3, k4 = jax.random.split(key, 4)
    x = jax.random.uniform(k1, (E,), dtype=jnp.float32) * 3.0
    edge_types = jax.random.randint(k2, (E,), 0, EDGE_TYPES, dtype=jnp.int64 if jax.config.jax_enable_x64 else jnp.int32)
    means = jax.random.uniform(k3, (K,), dtype=jnp.float32, minval=0.0, maxval=3.0)
    temps = jax.random.uniform(k4, (K,), dtype=jnp.float32, minval=0.1, maxval=10.0)
    mul_weight = jnp.ones((EDGE_TYPES, 1), dtype=jnp.float32)
    bias_weight = jnp.zeros((EDGE_TYPES, 1), dtype=jnp.float32)
    return {"x": x, "edge_types": edge_types, "means": means, "temps": temps, "mul_weight": mul_weight, "bias_weight": bias_weight}

def reference(x, edge_types, means, temps, mul_weight, bias_weight):
    # mul = self.mul(edge_types); bias = self.bias(edge_types)  (embedding lookups, dim=1)
    mul = jnp.take(mul_weight, edge_types, axis=0)   # [E, 1]
    bias = jnp.take(bias_weight, edge_types, axis=0) # [E, 1]
    # x = mul * x.unsqueeze(-1) + bias
    xx = mul * x[..., None] + bias                    # [E, 1]
    mean = means.astype(jnp.float32)                  # [K]
    temp = jnp.abs(temps.astype(jnp.float32))         # [K]
    # ((x - mean)^2 * -temp).exp()
    out = jnp.exp(jnp.square(xx - mean) * (-temp))    # [E, K]
    return out.astype(means.dtype)

if __name__ == "__main__":
    import jax
    _d = setup_inputs()
    print(jax.jit(kernel)(*tuple(_d.values())))

</pallas_src>

<mosaic_0001>
#map = affine_map<(d0, d1) -> (0)>
module attributes {stable_mosaic.version = 14 : i64} {
  func.func @sc_affine_lookup(%arg0: i32, %arg1: i32, %arg2: memref<640000xf32, #tpu.memory_space<hbm>>, %arg3: memref<640000xi32, #tpu.memory_space<hbm>>, %arg4: memref<512xf32, #tpu.memory_space<hbm>>, %arg5: memref<512xf32, #tpu.memory_space<hbm>>, %arg6: memref<640000xf32, #tpu.memory_space<hbm>>, %arg7: memref<20000xf32, #tpu.memory_space<vmem>>, %arg8: memref<20000xi32, #tpu.memory_space<vmem>>, %arg9: memref<20000xf32, #tpu.memory_space<vmem>>, %arg10: memref<512xf32, #tpu.memory_space<vmem>>, %arg11: memref<512xf32, #tpu.memory_space<vmem>>, %arg12: memref<!tpu.dma_semaphore, #tpu.memory_space<semaphore_mem>>, %arg13: memref<!tpu.dma_semaphore, #tpu.memory_space<semaphore_mem>>, %arg14: memref<!tpu.dma_semaphore, #tpu.memory_space<semaphore_mem>>, %arg15: memref<!tpu.dma_semaphore, #tpu.memory_space<semaphore_mem>>) attributes {dimension_semantics = [#tpu.dimension_semantics<core_parallel>, #tpu.dimension_semantics<subcore_parallel>], iteration_bounds = array<i64: 2, 16>, scalar_prefetch = 0 : i64, scratch_operands = 9 : i64, tpu.core_type = #tpu.core_type<sc_vector_subcore>, window_params = [{transform_indices = #map}, {transform_indices = #map}, {transform_indices = #map}, {transform_indices = #map}, {transform_indices = #map}]} {
    %mul3A = arith.constant 2 : i32
    %mul3A_0 = arith.muli %arg1, %mul3A : i32
    %add3A = arith.addi %mul3A_0, %arg0 : i32
    %mul3A_1 = arith.constant 20000 : i32
    %mul3A_2 = arith.muli %add3A, %mul3A_1 : i32
    %dma_start3A = arith.constant 0 : i32
    %dma_start3A_3 = tpu.memref_slice %arg7[%dma_start3A] : memref<20000xf32, #tpu.memory_space<vmem>> -> memref<10000xf32, #tpu.memory_space<vmem>>
    %dma_start3A_4 = tpu.memref_slice %arg2[%mul3A_2] : memref<640000xf32, #tpu.memory_space<hbm>> -> memref<10000xf32, #tpu.memory_space<hbm>>
    %dma_start3A_5 = arith.constant 0 : i32
    %dma_start3A_6 = tpu.memref_slice %arg7[%dma_start3A_5] : memref<20000xf32, #tpu.memory_space<vmem>> -> memref<10000xf32, #tpu.memory_space<vmem>>
    %dma_start3A_7 = tpu.memref_slice %arg2[%mul3A_2] : memref<640000xf32, #tpu.memory_space<hbm>> -> memref<10000xf32, #tpu.memory_space<hbm>>
    tpu.enqueue_dma source(%dma_start3A_7 : memref<10000xf32, #tpu.memory_space<hbm>>) target(%dma_start3A_6 : memref<10000xf32, #tpu.memory_space<vmem>>) target_semaphore(%arg12 : memref<!tpu.dma_semaphore, #tpu.memory_space<semaphore_mem>>)
    %dma_start3A_8 = arith.constant 0 : i32
    %dma_start3A_9 = tpu.memref_slice %arg8[%dma_start3A_8] : memref<20000xi32, #tpu.memory_space<vmem>> -> memref<10000xi32, #tpu.memory_space<vmem>>
    %dma_start3A_10 = tpu.memref_slice %arg3[%mul3A_2] : memref<640000xi32, #tpu.memory_space<hbm>> -> memref<10000xi32, #tpu.memory_space<hbm>>
    %dma_start3A_11 = arith.constant 0 : i32
    %dma_start3A_12 = tpu.memref_slice %arg8[%dma_start3A_11] : memref<20000xi32, #tpu.memory_space<vmem>> -> memref<10000xi32, #tpu.memory_space<vmem>>
    %dma_start3A_13 = tpu.memref_slice %arg3[%mul3A_2] : memref<640000xi32, #tpu.memory_space<hbm>> -> memref<10000xi32, #tpu.memory_space<hbm>>
    tpu.enqueue_dma source(%dma_start3A_13 : memref<10000xi32, #tpu.memory_space<hbm>>) target(%dma_start3A_12 : memref<10000xi32, #tpu.memory_space<vmem>>) target_semaphore(%arg13 : memref<!tpu.dma_semaphore, #tpu.memory_space<semaphore_mem>>)
    tpu.enqueue_dma source(%arg4 : memref<512xf32, #tpu.memory_space<hbm>>) target(%arg10 : memref<512xf32, #tpu.memory_space<vmem>>) target_semaphore(%arg14 : memref<!tpu.dma_semaphore, #tpu.memory_space<semaphore_mem>>)
    tpu.enqueue_dma source(%arg5 : memref<512xf32, #tpu.memory_space<hbm>>) target(%arg11 : memref<512xf32, #tpu.memory_space<vmem>>) target_semaphore(%arg14 : memref<!tpu.dma_semaphore, #tpu.memory_space<semaphore_mem>>)
    %add3A_14 = arith.constant 10000 : i32
    %add3A_15 = arith.addi %mul3A_2, %add3A_14 : i32
    %dma_start3A_16 = arith.constant 10000 : i32
    %dma_start3A_17 = tpu.memref_slice %arg7[%dma_start3A_16] : memref<20000xf32, #tpu.memory_space<vmem>> -> memref<10000xf32, #tpu.memory_space<vmem>>
    %dma_start3A_18 = tpu.memref_slice %arg2[%add3A_15] : memref<640000xf32, #tpu.memory_space<hbm>> -> memref<10000xf32, #tpu.memory_space<hbm>>
    %dma_start3A_19 = arith.constant 10000 : i32
    %dma_start3A_20 = tpu.memref_slice %arg7[%dma_start3A_19] : memref<20000xf32, #tpu.memory_space<vmem>> -> memref<10000xf32, #tpu.memory_space<vmem>>
    %dma_start3A_21 = tpu.memref_slice %arg2[%add3A_15] : memref<640000xf32, #tpu.memory_space<hbm>> -> memref<10000xf32, #tpu.memory_space<hbm>>
    tpu.enqueue_dma source(%dma_start3A_21 : memref<10000xf32, #tpu.memory_space<hbm>>) target(%dma_start3A_20 : memref<10000xf32, #tpu.memory_space<vmem>>) target_semaphore(%arg12 : memref<!tpu.dma_semaphore, #tpu.memory_space<semaphore_mem>>)
    %add3A_22 = arith.constant 10000 : i32
    %add3A_23 = arith.addi %mul3A_2, %add3A_22 : i32
    %dma_start3A_24 = arith.constant 10000 : i32
    %dma_start3A_25 = tpu.memref_slice %arg8[%dma_start3A_24] : memref<20000xi32, #tpu.memory_space<vmem>> -> memref<10000xi32, #tpu.memory_space<vmem>>
    %dma_start3A_26 = tpu.memref_slice %arg3[%add3A_23] : memref<640000xi32, #tpu.memory_space<hbm>> -> memref<10000xi32, #tpu.memory_space<hbm>>
    %dma_start3A_27 = arith.constant 10000 : i32
    %dma_start3A_28 = tpu.memref_slice %arg8[%dma_start3A_27] : memref<20000xi32, #tpu.memory_space<vmem>> -> memref<10000xi32, #tpu.memory_space<vmem>>
    %dma_start3A_29 = tpu.memref_slice %arg3[%add3A_23] : memref<640000xi32, #tpu.memory_space<hbm>> -> memref<10000xi32, #tpu.memory_space<hbm>>
    tpu.enqueue_dma source(%dma_start3A_29 : memref<10000xi32, #tpu.memory_space<hbm>>) target(%dma_start3A_28 : memref<10000xi32, #tpu.memory_space<vmem>>) target_semaphore(%arg13 : memref<!tpu.dma_semaphore, #tpu.memory_space<semaphore_mem>>)
    tpu.wait_dma2 semaphore(%arg14 : memref<!tpu.dma_semaphore, #tpu.memory_space<semaphore_mem>>) src(%arg4 : memref<512xf32, #tpu.memory_space<hbm>>) dst(%arg10 : memref<512xf32, #tpu.memory_space<vmem>>)
    tpu.wait_dma2 semaphore(%arg14 : memref<!tpu.dma_semaphore, #tpu.memory_space<semaphore_mem>>) src(%arg5 : memref<512xf32, #tpu.memory_space<hbm>>) dst(%arg11 : memref<512xf32, #tpu.memory_space<vmem>>)
    %dma_wait3A = arith.constant 0 : i32
    %dma_wait3A_30 = tpu.memref_slice %arg7[%dma_wait3A] : memref<20000xf32, #tpu.memory_space<vmem>> -> memref<10000xf32, #tpu.memory_space<vmem>>
    %dma_wait3A_31 = tpu.memref_slice %arg2[%mul3A_2] : memref<640000xf32, #tpu.memory_space<hbm>> -> memref<10000xf32, #tpu.memory_space<hbm>>
    %dma_wait3A_32 = arith.constant 0 : i32
    %dma_wait3A_33 = tpu.memref_slice %arg7[%dma_wait3A_32] : memref<20000xf32, #tpu.memory_space<vmem>> -> memref<10000xf32, #tpu.memory_space<vmem>>
    %dma_wait3A_34 = tpu.memref_slice %arg2[%mul3A_2] : memref<640000xf32, #tpu.memory_space<hbm>> -> memref<10000xf32, #tpu.memory_space<hbm>>
    tpu.wait_dma2 semaphore(%arg12 : memref<!tpu.dma_semaphore, #tpu.memory_space<semaphore_mem>>) src(%dma_wait3A_34 : memref<10000xf32, #tpu.memory_space<hbm>>) dst(%dma_wait3A_33 : memref<10000xf32, #tpu.memory_space<vmem>>)
    %dma_wait3A_35 = arith.constant 0 : i32
    %dma_wait3A_36 = tpu.memref_slice %arg8[%dma_wait3A_35] : memref<20000xi32, #tpu.memory_space<vmem>> -> memref<10000xi32, #tpu.memory_space<vmem>>
    %dma_wait3A_37 = tpu.memref_slice %arg3[%mul3A_2] : memref<640000xi32, #tpu.memory_space<hbm>> -> memref<10000xi32, #tpu.memory_space<hbm>>
    %dma_wait3A_38 = arith.constant 0 : i32
    %dma_wait3A_39 = tpu.memref_slice %arg8[%dma_wait3A_38] : memref<20000xi32, #tpu.memory_space<vmem>> -> memref<10000xi32, #tpu.memory_space<vmem>>
    %dma_wait3A_40 = tpu.memref_slice %arg3[%mul3A_2] : memref<640000xi32, #tpu.memory_space<hbm>> -> memref<10000xi32, #tpu.memory_space<hbm>>
    tpu.wait_dma2 semaphore(%arg13 : memref<!tpu.dma_semaphore, #tpu.memory_space<semaphore_mem>>) src(%dma_wait3A_40 : memref<10000xi32, #tpu.memory_space<hbm>>) dst(%dma_wait3A_39 : memref<10000xi32, #tpu.memory_space<vmem>>)
    %parallel_loop3A = arith.constant 0 : i32
    %parallel_loop3A_41 = arith.constant 10000 : i32
    %parallel_loop3A_42 = arith.constant 16 : i32
    scf.for %parallel_loop3A_72 = %parallel_loop3A to %parallel_loop3A_41 step %parallel_loop3A_42  : i32 {
      %parallel_loop3A_73 = arith.index_cast %parallel_loop3A_72 : i32 to index
      %parallel_loop3A_74 = tpu.vector_load %arg8[%parallel_loop3A_73] {strides = array<i32>} : memref<20000xi32, #tpu.memory_space<vmem>>, vector<16xi32>,
      %parallel_loop3A_75 = tpu.vector_load_idx %arg10[%parallel_loop3A_74] : memref<512xf32, #tpu.memory_space<vmem>>[vector<16xi32>], vector<16xf32>,
      %parallel_loop3A_76 = tpu.vector_load_idx %arg11[%parallel_loop3A_74] : memref<512xf32, #tpu.memory_space<vmem>>[vector<16xi32>], vector<16xf32>,
      %parallel_loop3A_77 = arith.index_cast %parallel_loop3A_72 : i32 to index
      %parallel_loop3A_78 = tpu.vector_load %arg7[%parallel_loop3A_77] {strides = array<i32>} : memref<20000xf32, #tpu.memory_space<vmem>>, vector<16xf32>,
      %parallel_loop3A_79 = arith.mulf %parallel_loop3A_75, %parallel_loop3A_78 : vector<16xf32>
      %parallel_loop3A_80 = arith.addf %parallel_loop3A_79, %parallel_loop3A_76 : vector<16xf32>
      %parallel_loop3A_81 = arith.index_cast %parallel_loop3A_72 : i32 to index
      %parallel_loop3A_82 = tpu.vector_load %arg9[%parallel_loop3A_81] {strides = array<i32>} : memref<20000xf32, #tpu.memory_space<vmem>>, vector<16xf32>,
      tpu.vector_store %arg9[%parallel_loop3A_81], %parallel_loop3A_80 {strides = array<i32>} : memref<20000xf32, #tpu.memory_space<vmem>>, vector<16xf32>,
    } {sc.loop_unroll_factor = 8 : i64, sc.parallel_access}
    %dma_start3A_43 = arith.constant 0 : i32
    %dma_start3A_44 = tpu.memref_slice %arg9[%dma_start3A_43] : memref<20000xf32, #tpu.memory_space<vmem>> -> memref<10000xf32, #tpu.memory_space<vmem>>
    %dma_start3A_45 = tpu.memref_slice %arg6[%mul3A_2] : memref<640000xf32, #tpu.memory_space<hbm>> -> memref<10000xf32, #tpu.memory_space<hbm>>
    %dma_start3A_46 = tpu.memref_slice %arg6[%mul3A_2] : memref<640000xf32, #tpu.memory_space<hbm>> -> memref<10000xf32, #tpu.memory_space<hbm>>
    %dma_start3A_47 = arith.constant 0 : i32
    %dma_start3A_48 = tpu.memref_slice %arg9[%dma_start3A_47] : memref<20000xf32, #tpu.memory_space<vmem>> -> memref<10000xf32, #tpu.memory_space<vmem>>
    tpu.enqueue_dma source(%dma_start3A_48 : memref<10000xf32, #tpu.memory_space<vmem>>) target(%dma_start3A_46 : memref<10000xf32, #tpu.memory_space<hbm>>) target_semaphore(%arg15 : memref<!tpu.dma_semaphore, #tpu.memory_space<semaphore_mem>>)
    %dma_wait3A_49 = arith.constant 10000 : i32
    %dma_wait3A_50 = tpu.memref_slice %arg7[%dma_wait3A_49] : memref<20000xf32, #tpu.memory_space<vmem>> -> memref<10000xf32, #tpu.memory_space<vmem>>
    %dma_wait3A_51 = tpu.memref_slice %arg2[%add3A_15] : memref<640000xf32, #tpu.memory_space<hbm>> -> memref<10000xf32, #tpu.memory_space<hbm>>
    %dma_wait3A_52 = arith.constant 10000 : i32
    %dma_wait3A_53 = tpu.memref_slice %arg7[%dma_wait3A_52] : memref<20000xf32, #tpu.memory_space<vmem>> -> memref<10000xf32, #tpu.memory_space<vmem>>
    %dma_wait3A_54 = tpu.memref_slice %arg2[%add3A_15] : memref<640000xf32, #tpu.memory_space<hbm>> -> memref<10000xf32, #tpu.memory_space<hbm>>
    tpu.wait_dma2 semaphore(%arg12 : memref<!tpu.dma_semaphore, #tpu.memory_space<semaphore_mem>>) src(%dma_wait3A_54 : memref<10000xf32, #tpu.memory_space<hbm>>) dst(%dma_wait3A_53 : memref<10000xf32, #tpu.memory_space<vmem>>)
    %dma_wait3A_55 = arith.constant 10000 : i32
    %dma_wait3A_56 = tpu.memref_slice %arg8[%dma_wait3A_55] : memref<20000xi32, #tpu.memory_space<vmem>> -> memref<10000xi32, #tpu.memory_space<vmem>>
    %dma_wait3A_57 = tpu.memref_slice %arg3[%add3A_23] : memref<640000xi32, #tpu.memory_space<hbm>> -> memref<10000xi32, #tpu.memory_space<hbm>>
    %dma_wait3A_58 = arith.constant 10000 : i32
    %dma_wait3A_59 = tpu.memref_slice %arg8[%dma_wait3A_58] : memref<20000xi32, #tpu.memory_space<vmem>> -> memref<10000xi32, #tpu.memory_space<vmem>>
    %dma_wait3A_60 = tpu.memref_slice %arg3[%add3A_23] : memref<640000xi32, #tpu.memory_space<hbm>> -> memref<10000xi32, #tpu.memory_space<hbm>>
    tpu.wait_dma2 semaphore(%arg13 : memref<!tpu.dma_semaphore, #tpu.memory_space<semaphore_mem>>) src(%dma_wait3A_60 : memref<10000xi32, #tpu.memory_space<hbm>>) dst(%dma_wait3A_59 : memref<10000xi32, #tpu.memory_space<vmem>>)
    %parallel_loop3A_61 = arith.constant 10000 : i32
    %parallel_loop3A_62 = arith.constant 20000 : i32
    %parallel_loop3A_63 = arith.constant 16 : i32
    scf.for %parallel_loop3A_72 = %parallel_loop3A_61 to %parallel_loop3A_62 step %parallel_loop3A_63  : i32 {
      %parallel_loop3A_73 = arith.index_cast %parallel_loop3A_72 : i32 to index
      %parallel_loop3A_74 = tpu.vector_load %arg8[%parallel_loop3A_73] {strides = array<i32>} : memref<20000xi32, #tpu.memory_space<vmem>>, vector<16xi32>,
      %parallel_loop3A_75 = tpu.vector_load_idx %arg10[%parallel_loop3A_74] : memref<512xf32, #tpu.memory_space<vmem>>[vector<16xi32>], vector<16xf32>,
      %parallel_loop3A_76 = tpu.vector_load_idx %arg11[%parallel_loop3A_74] : memref<512xf32, #tpu.memory_space<vmem>>[vector<16xi32>], vector<16xf32>,
      %parallel_loop3A_77 = arith.index_cast %parallel_loop3A_72 : i32 to index
      %parallel_loop3A_78 = tpu.vector_load %arg7[%parallel_loop3A_77] {strides = array<i32>} : memref<20000xf32, #tpu.memory_space<vmem>>, vector<16xf32>,
      %parallel_loop3A_79 = arith.mulf %parallel_loop3A_75, %parallel_loop3A_78 : vector<16xf32>
      %parallel_loop3A_80 = arith.addf %parallel_loop3A_79, %parallel_loop3A_76 : vector<16xf32>
      %parallel_loop3A_81 = arith.index_cast %parallel_loop3A_72 : i32 to index
      %parallel_loop3A_82 = tpu.vector_load %arg9[%parallel_loop3A_81] {strides = array<i32>} : memref<20000xf32, #tpu.memory_space<vmem>>, vector<16xf32>,
      tpu.vector_store %arg9[%parallel_loop3A_81], %parallel_loop3A_80 {strides = array<i32>} : memref<20000xf32, #tpu.memory_space<vmem>>, vector<16xf32>,
    } {sc.loop_unroll_factor = 8 : i64, sc.parallel_access}
    %dma_wait3A_64 = arith.constant 0 : i32
    %dma_wait3A_65 = tpu.memref_slice %arg9[%dma_wait3A_64] : memref<20000xf32, #tpu.memory_space<vmem>> -> memref<10000xf32, #tpu.memory_space<vmem>>
    %dma_wait3A_66 = tpu.memref_slice %arg6[%mul3A_2] : memref<640000xf32, #tpu.memory_space<hbm>> -> memref<10000xf32, #tpu.memory_space<hbm>>
    %dma_wait3A_67 = tpu.memref_slice %arg6[%mul3A_2] : memref<640000xf32, #tpu.memory_space<hbm>> -> memref<10000xf32, #tpu.memory_space<hbm>>
    %dma_wait3A_68 = arith.constant 0 : i32
    %dma_wait3A_69 = tpu.memref_slice %arg9[%dma_wait3A_68] : memref<20000xf32, #tpu.memory_space<vmem>> -> memref<10000xf32, #tpu.memory_space<vmem>>
    tpu.wait_dma2 semaphore(%arg15 : memref<!tpu.dma_semaphore, #tpu.memory_space<semaphore_mem>>) src(%dma_wait3A_69 : memref<10000xf32, #tpu.memory_space<vmem>>) dst(%dma_wait3A_67 : memref<10000xf32, #tpu.memory_space<hbm>>)
    %add3A_70 = arith.constant 10000 : i32
    %add3A_71 = arith.addi %mul3A_2, %add3A_70 : i32
    "tpu.region"() ({
      %run_scoped3A = tpu.sem_alloc : memref<!tpu.dma_semaphore, #tpu.memory_space<semaphore_mem>>
      %dma_start3A_72 = arith.constant 10000 : i32
      %dma_start3A_73 = tpu.memref_slice %arg9[%dma_start3A_72] : memref<20000xf32, #tpu.memory_space<vmem>> -> memref<10000xf32, #tpu.memory_space<vmem>>
      %dma_start3A_74 = tpu.memref_slice %arg6[%add3A_71] : memref<640000xf32, #tpu.memory_space<hbm>> -> memref<10000xf32, #tpu.memory_space<hbm>>
      %dma_start3A_75 = tpu.memref_slice %arg6[%add3A_71] : memref<640000xf32, #tpu.memory_space<hbm>> -> memref<10000xf32, #tpu.memory_space<hbm>>
      %dma_start3A_76 = arith.constant 10000 : i32
      %dma_start3A_77 = tpu.memref_slice %arg9[%dma_start3A_76] : memref<20000xf32, #tpu.memory_space<vmem>> -> memref<10000xf32, #tpu.memory_space<vmem>>
      tpu.enqueue_dma source(%dma_start3A_77 : memref<10000xf32, #tpu.memory_space<vmem>>) target(%dma_start3A_75 : memref<10000xf32, #tpu.memory_space<hbm>>) target_semaphore(%run_scoped3A : memref<!tpu.dma_semaphore, #tpu.memory_space<semaphore_mem>>)
      %dma_wait3A_78 = arith.constant 10000 : i32
      %dma_wait3A_79 = tpu.memref_slice %arg9[%dma_wait3A_78] : memref<20000xf32, #tpu.memory_space<vmem>> -> memref<10000xf32, #tpu.memory_space<vmem>>
      %dma_wait3A_80 = tpu.memref_slice %arg6[%add3A_71] : memref<640000xf32, #tpu.memory_space<hbm>> -> memref<10000xf32, #tpu.memory_space<hbm>>
      %dma_wait3A_81 = tpu.memref_slice %arg6[%add3A_71] : memref<640000xf32, #tpu.memory_space<hbm>> -> memref<10000xf32, #tpu.memory_space<hbm>>
      %dma_wait3A_82 = arith.constant 10000 : i32
      %dma_wait3A_83 = tpu.memref_slice %arg9[%dma_wait3A_82] : memref<20000xf32, #tpu.memory_space<vmem>> -> memref<10000xf32, #tpu.memory_space<vmem>>
      tpu.wait_dma2 semaphore(%run_scoped3A : memref<!tpu.dma_semaphore, #tpu.memory_space<semaphore_mem>>) src(%dma_wait3A_83 : memref<10000xf32, #tpu.memory_space<vmem>>) dst(%dma_wait3A_81 : memref<10000xf32, #tpu.memory_space<hbm>>)
      tpu.yield
    }) : () -> ()
    return
  }
}

module attributes {stable_mosaic.version = 14 : i64} {
  func.func @_rbf_body(%arg0: i32, %arg1: memref<25600xf32, #tpu.memory_space<vmem>>, %arg2: memref<128xf32, #tpu.memory_space<vmem>>, %arg3: memref<128xf32, #tpu.memory_space<vmem>>, %arg4: memref<25600x128xf32, #tpu.memory_space<vmem>>) attributes {dimension_semantics = [#tpu.dimension_semantics<arbitrary>], iteration_bounds = array<i64: 25>, scalar_prefetch = 0 : i64, scratch_operands = 0 : i64, tpu.core_type = #tpu.core_type<tc>, window_params = [{transform_indices = @transform_0, window_bounds = array<i64: 25600>}, {pipeline_mode = #tpu.pipeline_mode<synchronous>, transform_indices = @transform_1, window_bounds = array<i64: 128>}, {pipeline_mode = #tpu.pipeline_mode<synchronous>, transform_indices = @transform_2, window_bounds = array<i64: 128>}, {transform_indices = @transform_3, window_bounds = array<i64: 25600, 128>}]} {
    %get3A = arith.constant 0 : index
    %get3A_0 = vector.load %arg2[%get3A] : memref<128xf32, #tpu.memory_space<vmem>>, vector<128xf32>
    %get3A_1 = arith.constant 0 : index
    %get3A_2 = vector.load %arg3[%get3A_1] : memref<128xf32, #tpu.memory_space<vmem>>, vector<128xf32>
    %abs3A = math.absf %get3A_2 : vector<128xf32>
    %mul3A = arith.constant 1.44269502 : f32
    %mul3A_3 = vector.broadcast %mul3A : f32 to vector<128xf32>
    %mul3A_4 = arith.mulf %abs3A, %mul3A_3 : vector<128xf32>
    %neg3A = arith.constant 0.000000e+00 : f32
    %neg3A_5 = vector.broadcast %neg3A : f32 to vector<128xf32>
    %neg3A_6 = arith.subf %neg3A_5, %mul3A_4 : vector<128xf32>
    %mul3A_7 = arith.constant 2.000000e+00 : f32
    %mul3A_8 = vector.broadcast %mul3A_7 : f32 to vector<128xf32>
    %mul3A_9 = arith.mulf %mul3A_8, %mul3A_4 : vector<128xf32>
    %mul3A_10 = arith.mulf %mul3A_9, %get3A_0 : vector<128xf32>
    %neg3A_11 = arith.constant 0.000000e+00 : f32
    %neg3A_12 = vector.broadcast %neg3A_11 : f32 to vector<128xf32>
    %neg3A_13 = arith.subf %neg3A_12, %mul3A_4 : vector<128xf32>
    %mul3A_14 = arith.mulf %neg3A_13, %get3A_0 : vector<128xf32>
    %mul3A_15 = arith.mulf %mul3A_14, %get3A_0 : vector<128xf32>
    %get3A_16 = arith.constant 0 : index
    %get3A_17 = vector.load %arg1[%get3A_16] : memref<25600xf32, #tpu.memory_space<vmem>>, vector<25600xf32>
    %broadcast_in_dim3A = vector.shape_cast %get3A_17 : vector<25600xf32> to vector<25600x1xf32>
    %broadcast_in_dim3A_18 = vector.shape_cast %broadcast_in_dim3A : vector<25600x1xf32> to vector<25600x1xf32>
    %broadcast_in_dim3A_19 = vector.broadcast %broadcast_in_dim3A_18 : vector<25600x1xf32> to vector<25600x128xf32>
    %broadcast_in_dim3A_20 = vector.shape_cast %neg3A_6 : vector<128xf32> to vector<1x128xf32>
    %mul3A_21 = vector.broadcast %broadcast_in_dim3A_20 : vector<1x128xf32> to vector<25600x128xf32>
    %mul3A_22 = arith.mulf %mul3A_21, %broadcast_in_dim3A_19 : vector<25600x128xf32>
    %broadcast_in_dim3A_23 = vector.shape_cast %mul3A_10 : vector<128xf32> to vector<1x128xf32>
    %add3A = vector.broadcast %broadcast_in_dim3A_23 : vector<1x128xf32> to vector<25600x128xf32>
    %add3A_24 = arith.addf %mul3A_22, %add3A : vector<25600x128xf32>
    %mul3A_25 = arith.mulf %broadcast_in_dim3A_19, %add3A_24 : vector<25600x128xf32>
    %broadcast_in_dim3A_26 = vector.shape_cast %mul3A_15 : vector<128xf32> to vector<1x128xf32>
    %add3A_27 = vector.broadcast %broadcast_in_dim3A_26 : vector<1x128xf32> to vector<25600x128xf32>
    %add3A_28 = arith.addf %mul3A_25, %add3A_27 : vector<25600x128xf32>
    %exp23A = math.exp2 %add3A_28 : vector<25600x128xf32>
    %swap3A = arith.constant 0 : index
    %swap3A_29 = arith.constant 0 : index
    %swap3A_30 = vector.load %arg4[%swap3A, %swap3A_29] : memref<25600x128xf32, #tpu.memory_space<vmem>>, vector<25600x128xf32>
    tpu.vector_store %arg4[%swap3A, %swap3A_29], %exp23A {strides = array<i32>} : memref<25600x128xf32, #tpu.memory_space<vmem>>, vector<25600x128xf32>,
    return
  }
  func.func @transform_0(%arg0: i32) -> i32 {
    %c0_i32 = arith.constant 0 : i32
    return %arg0 : i32
  }
  func.func @transform_1(%arg0: i32) -> i32 {
    %c0_i32 = arith.constant 0 : i32
    %c0_i32_0 = arith.constant 0 : i32
    return %c0_i32 : i32
  }
  func.func @transform_2(%arg0: i32) -> i32 {
    %c0_i32 = arith.constant 0 : i32
    %c0_i32_0 = arith.constant 0 : i32
    return %c0_i32 : i32
  }
  func.func @transform_3(%arg0: i32) -> (i32, i32) {
    %c0_i32 = arith.constant 0 : i32
    %c0_i32_0 = arith.constant 0 : i32
    return %arg0, %c0_i32 : i32, i32
  }
}

</mosaic_0001>

<sc_bundles>
// kernel: sc_affine_lookup.3.cloned.1.call-start
scs
__scs_entry_jumppad:
0x0: {  	(pc) =	sbr.rel $0x88, $3  }
0x1: {  	(tag) =	ssettag $0x0;
	lr =	simm.s32 $0x1  }
0x2: {  	[smem:$0x3F9B] =	sst lr;
	_ =	strace $0xD0000000  }
0x3: {  	_ = 	snop  }
0x4: {  	_ = 	snop  }
0x5: {  	_ = 	snop  }
0x6: {  	_ = 	snop  }
0x7: {  	_ = 	snop  }
__scs_overlays_trampoline_lowered:
0x8: {  	[smem:$0x3FAA] =	sst s0  }
0x9: {  	[smem:$0x3FAB] =	sst s1  }
0xa: {  	[smem:$0x3FAC] =	sst s2  }
0xb: {  	[smem:$0x3FAD] =	sst s3  }
0xc: {  	[smem:$0x3FAE] =	sst s4  }
0xd: {  	[smem:$0x3FAF] =	sst s5  }
0xe: {  	[smem:$0x3FB0] =	sst s6  }
0xf: {  	[smem:$0x3FB1] =	sst s7  }
0x10: {  	[smem:$0x3FB2] =	sst s8  }
0x11: {  	[smem:$0x3FB3] =	sst s9;
	s0 =	simm.s32 @!p0 $0x0  }
0x12: {  	s1 =	sld [smem:$0x3F99];
	s0 =	simm.s32 @p0 $0x1  }
0x13: {  	[smem:$0x3FB4] =	sst s0;
	s0 =	simm.s32 @!p1 $0x0  }
0x14: {  	s2 =	sld [smem:$0x3F98];
	s0 =	simm.s32 @p1 $0x1  }
0x15: {  	[smem:$0x3FB5] =	sst s0;
	s0 =	simm.s32 @!p2 $0x0  }
0x16: {  	s3 =	sld [smem:$0x3FDB];
	s0 =	simm.s32 @p2 $0x1  }
0x17: {  	s4 =	simm.s32 $0x1BF5;
	[smem:$0x3FB7] =	sst s0  }
0x18: {  	s0 =	sld [smem:$0x3F9A];
	_ =	swait.ge [sflag:s4], $0x0  }
0x19: {  	s7 =	sld [smem:$0x3F9B]  }
0x1a: {  	s8 =	sadd.s32 $0xFFFFE003, lr  }
0x1b: {  	s9 =	sadd.s32 $0xFFFFFEF7, lr;
	s5 =	simm.s32 $0xFFFFFFFF;
	p2 =	slt.u32 s8, $0xFFFFF086  }
0x1c: {  	p1 =	slt.u32 s9, $0xF7A;
	s5 =	simm.s32 @!p2 $0x0  }
0x1d: {  	s5 =	simm.s32 @p1 $0x1;
	p0 =	seq.s32 s7, s2  }
0x1e: {  	s7 =	smul.u32 @!p0 $0xF7A, s2;
	p2 =	seq.s32 @!p0 s5, $0x0  }
0x1f: {  	s9 =	smul.u32 $0xF7A, s1;
	s8 =	simm.s32 @!p0 $0x1BF5;
	p2 =	por !p2, p0  }
0x20: {  	[sflag:s8] =	ssyncset.s32 @!p0 $0xFFFFF086;
	s6 =	sadd.s32 @!p0 s3, s7;
	s7 =	simm.s32 @!p0 $0x108  }
0x21: {  	s3 =	sadd.s32 s3, s9;
	s6 =	sadd.s32 @!p0 $0x88, s6;
	s7 =	simm.s32 @p2 $0x1082  }
0x22: {  	[simem:s7], [sflag:s8] =	dma.local @!p0 [hbm:s6], $0xF7A  }
0x23: {  	s9 =	sor.u32 $0xD0000000, s2;
	s6 =	simm.s32 $0x108;
	_ =	swait.ge @!p0 [sflag:s8], $0x0  }
0x24: {  	s3 =	sadd.s32 $0x88, s3;
	s6 =	simm.s32 @!p1 $0x1082;
	[sflag:s4] =	ssyncset.s32 $0xFFFFF086  }
0x25: {  	[simem:s6], [sflag:s4] =	dma.local [hbm:s3], $0xF7A  }
0x26: {  	[smem:$0x3F9B] =	sst s1;
	(tag) =	ssettag s2;
	_ =	strace s9  }
0x27: {  	s1 =	sld [smem:$0x3FAB]  }
0x28: {  	s2 =	sld [smem:$0x3FAC]  }
0x29: {  	s4 =	sld [smem:$0x3FAE]  }
0x2a: {  	p0 =	seq.s32 s5, $0x0;
	s5 =	sld [smem:$0x3FAF]  }
0x2b: {  	s6 =	sld [smem:$0x3FB0]  }
0x2c: {  	s7 =	sld [smem:$0x3FB1]  }
0x2d: {  	s3 =	simm.s32 $0x108;
	s8 =	sld [smem:$0x3FB2]  }
0x2e: {  	s3 =	simm.s32 @!p0 $0x1082;
	s9 =	sld [smem:$0x3FB3]  }
0x2f: {  	lr =	sadd.s32 s0, s3;
	s0 =	sld [smem:$0x3FAA]  }
0x30: {  	s3 =	sld [smem:$0x3FAD]  }
0x31: {  	[smem:$0x3FB6] =	sst s10  }
0x32: {  	s10 =	sld [smem:$0x3FB4];
	_ =	sdelay $0x3  }
0x33: {  	p0 =	seq.s32 s10, $0x1;
	s10 =	sld [smem:$0x3FB6];
	_ =	sdelay $0x3  }
0x34: {  	[smem:$0x3FB6] =	sst s10  }
0x35: {  	s10 =	sld [smem:$0x3FB5];
	_ =	sdelay $0x3  }
0x36: {  	p1 =	seq.s32 s10, $0x1;
	s10 =	sld [smem:$0x3FB6];
	_ =	sdelay $0x3  }
0x37: {  	[smem:$0x3FB6] =	sst s10  }
0x38: {  	s10 =	sld [smem:$0x3FB7]  }
0x39: {  	_ = 	snop;
	(pc) =	sbr.ind lr, $3  }
0x3a: {  	_ = 	snop  }
0x3b: {  	_ = 	snop  }
0x3c: {  	p2 =	seq.s32 s10, $0x1;
	s10 =	sld [smem:$0x3FB6]  }
0x3d: {  	_ =	shalt  }
0x3e: {  	_ =	shalt  }
0x3f: {  	_ =	shalt  }
0x40: {  	_ =	shalt  }
0x41: {  	_ =	shalt  }
0x42: {  	_ =	shalt  }
0x43: {  	_ =	shalt  }
0x44: {  	_ =	shalt  }
0x45: {  	_ =	shalt  }
0x46: {  	_ =	shalt  }
0x47: {  	_ =	shalt  }
0x48: {  	_ =	shalt  }
0x49: {  	_ =	shalt  }
0x4a: {  	_ =	shalt  }
0x4b: {  	_ =	shalt  }
0x4c: {  	_ =	shalt  }
0x4d: {  	_ =	shalt  }
0x4e: {  	_ =	shalt  }
0x4f: {  	_ =	shalt  }
0x50: {  	_ =	shalt  }
0x51: {  	_ =	shalt  }
0x52: {  	_ =	shalt  }
0x53: {  	_ =	shalt  }
0x54: {  	_ =	shalt  }
0x55: {  	_ =	shalt  }
0x56: {  	_ =	shalt  }
0x57: {  	_ =	shalt  }
0x58: {  	_ =	shalt  }
0x59: {  	_ =	shalt  }
0x5a: {  	_ =	shalt  }
0x5b: {  	_ =	shalt  }
0x5c: {  	_ =	shalt  }
0x5d: {  	_ =	shalt  }
0x5e: {  	_ =	shalt  }
0x5f: {  	_ =	shalt  }
0x60: {  	_ =	shalt  }
0x61: {  	_ =	shalt  }
0x62: {  	_ =	shalt  }
0x63: {  	_ =	shalt  }
0x64: {  	_ =	shalt  }
0x65: {  	_ =	shalt  }
0x66: {  	_ =	shalt  }
0x67: {  	_ =	shalt  }
0x68: {  	_ =	shalt  }
0x69: {  	_ =	shalt  }
0x6a: {  	_ =	shalt  }
0x6b: {  	_ =	shalt  }
0x6c: {  	_ =	shalt  }
0x6d: {  	_ =	shalt  }
0x6e: {  	_ =	shalt  }
0x6f: {  	_ =	shalt  }
0x70: {  	_ =	shalt  }
0x71: {  	_ =	shalt  }
0x72: {  	_ =	shalt  }
0x73: {  	_ =	shalt  }
0x74: {  	_ =	shalt  }
0x75: {  	_ =	shalt  }
0x76: {  	_ =	shalt  }
0x77: {  	_ =	shalt  }
0x78: {  	_ =	shalt  }
0x79: {  	_ =	shalt  }
0x7a: {  	_ =	shalt  }
0x7b: {  	_ =	shalt  }
0x7c: {  	_ =	shalt  }
0x7d: {  	_ =	shalt  }
0x7e: {  	_ =	shalt  }
0x7f: {  	_ =	shalt  }
0x80: {  	_ =	shalt  }
0x81: {  	_ =	shalt  }
0x82: {  	_ =	shalt  }
0x83: {  	_ =	shalt  }
0x84: {  	_ =	shalt  }
0x85: {  	_ =	shalt  }
0x86: {  	_ =	shalt  }
0x87: {  	_ =	shalt  }
.Lfunc_end0:
.L_simem_size_0:
called_computation_lowered:
.L_overlay_start_0:
0x88: {  	s2 =	sld [smem:$0x3FD9]  }
0x89: {  	s3 =	sld [smem:$0x3FFE];
	_ =	sdelay $0x1  }
0x8a: {  	s1 =	srdreg.scid  }
0x8b: {  	s0 =	sand.u32 $0x1, s1  }
0x8c: {  	s18 =	sshll.u32 s0, $0xA;
	s2 =	sadd.s32 s3, s2  }
0x8d: {  	s2 =	sadd.s32 s2, s18  }
0x8e: {  	[smem:$0x3FC2] =	sst s2  }
0x8f: {  	_ = 	snop  }
0x90: {  	s2 =	sld [smem:$0x3FC9]  }
0x91: {  	s19 =	sld [smem:$0x3FC8]  }
0x92: {  	s4 =	sld [smem:$0x3FC5]  }
0x93: {  	s5 =	sld [smem:$0x3FC4]  }
0x94: {  	s6 =	sld [smem:$0x3FD0];
	(tm) =	ssettm $0x1  }
0x95: {  	s7 =	sld [smem:$0x3FFB];
	_ =	sdelay $0x3  }
0x96: {  	_ =	strace s7  }
0x97: {  	s7 =	sld [smem:$0x3FFC];
	_ =	sdelay $0x3  }
0x98: {  	_ =	strace s7  }
0x99: {  	s7 =	sld [smem:$0x3FFD];
	_ =	sdelay $0x3  }
0x9a: {  	_ =	strace s7  }
0x9b: {  	_ =	strace $0x8FFFFFFF  }
0x9c: {  	s20 =	sld [smem:$0x3FDB];
	_ =	sdelay $0x1  }
0x9d: {  	s8 =	simm.s32 $_scs_section_size  }
0x9e: {  	s9 =	simm.s32 $_size__tile_overlayer_lowered;
	s10 =	simm.s32 $_tile_overlayer_lowered  }
0x9f: {  	s23 =	simm.s32 $0x1BFF;
	s22 =	sshll.u32 s10, $0x1;
	s7 =	sadd.s32 s8, s20  }
0xa0: {  	s11 =	simm.s32 $0x0;
	s21 =	sshll.u32 s9, $0x1;
	s9 =	sadd.s32 s22, s7  }
0xa1: {  	[timem:s11], [sflag:s23] =	dma.local [hbm:s9], s21  }
0xa2: {  	_ =	swait.ge [sflag:s23], s21  }
0xa3: {  	s8 =	ssub.s32 $0x0, s21;
	[sflag:s23] =	ssyncset.done $0x0  }
0xa4: {  	[sflag:s23] =	ssyncadd.s32 s8;
	_ =	sdelay $0x1  }
0xa5: {  	s24 =	simm.s32 $0x1B8B  }
0xa6: {  	_ =	swait.ge [sflag:s24], $0x1  }
0xa7: {  	[sflag:s24] =	ssyncset.done $0x0  }
0xa8: {  	s25 =	simm.s32 $0x1B8E;
	[sflag:s24] =	ssyncadd.s32 $0xFFFFFFFF  }
0xa9: {  	s26 =	simm.s32 $execute0_lowered;
	[smem:$0x3FD2] =	sst s25  }
0xaa: {  	s8 =	sshll.u32 s26, $0x1;
	_ =	strace $0x80000046;
	[dreg:$0x1] =	wrdreg $0xFFFFFFFF  }
0xab: {  	s28 =	simm.s32 $_size_execute0_lowered;
	s7 =	sadd.s32 s7, s8;
	[dreg:$0x0] =	wrdreg $0x0  }
0xac: {  	s8 =	sshll.u32 s28, $0x1;
	[dreg:$0x2] =	wrdreg s7  }
0xad: {  	[dreg:$0x3] =	wrdreg s8  }
0xae: {  	[dreg:$0x4] =	wrdreg $0xC0  }
0xaf: {  	_ =	task [dreg:s11], $0x5FFFF  }
0xb0: {  	[dreg:$0x1] =	wrdreg $0xFFFFFFFF  }
0xb1: {  	[dreg:$0x0] =	wrdreg $0x60  }
0xb2: {  	[dreg:$0x2] =	wrdreg s2  }
0xb3: {  	[dreg:$0x3] =	wrdreg s19  }
0xb4: {  	[dreg:$0x4] =	wrdreg s4  }
0xb5: {  	[dreg:$0x5] =	wrdreg s5  }
0xb6: {  	[dreg:$0x6] =	wrdreg s6  }
0xb7: {  	[dreg:$0x7] =	wrdreg $0x9  }
0xb8: {  	_ =	task.clear_ibuf [dreg:s11], $0x8FFFF;
	_ =	strace $0x90000046  }
0xb9: {  	s29 =	simm.s32 $0x9;
	_ =	strace $0x80000048  }
0xba: {  	_ =	swait.ge [sflag:s29], $0x1  }
0xbb: {  	[sflag:s29] =	ssyncadd.s32 $0xFFFFFFFF  }
0xbc: {  	_ =	strace $0x90000048  }
0xbd: {  	_ =	sfence  }
0xbe: {  	s30 =	sld [smem:$0x0];
	_ =	sdelay $0x2  }
0xbf: {  	s31 =	sshll.u32 s1, $0xD;
	s1 =	sshrl.u32 s1, $0x2  }
0xc0: {  	s3 =	sand.u32 $0x4000, s31;
	s1 =	sadd.s32 s1, s30  }
0xc1: {  	s0 =	sor.u32 s3, s0;
	s1 =	sshll.u32 s1, $0x11  }
0xc2: {  	s0 =	sor.u32 s1, s0  }
0xc3: {  	s0 =	sadd.s32 $0x8F2B, s0  }
0xc4: {  	[sflag:s0] =	ssyncadd.remote.s32 $0x1  }
0xc5: {  	_ =	sfence.sel $0xFFFF  }
0xc6: {  	[dreg:$0x0] =	wrdreg $0xFFFFFFFF;
	(pc) =	sbr.abs _section_cstart, $3  }
0xc7: {  	[dreg:$0x1] =	wrdreg $0xFFFFFFFF  }
0xc8: {  	_ =	task.clear_ibuf [dreg:s11], $0x2FFFF;
	_ =	strace $0x9FFFFFFF  }
0xc9: {  	(tm) =	ssettm $0x7FFFFFFF  }
tec
execute0_lowered:
.L_overlay_start_1:
0x0: {  	(tag) =	ssettag $0x1  }
0x1: {  	s7 =	rddreg [dreg:$0x0]  }
0x2: {  	s8 =	rddreg [dreg:$0x1]  }
0x3: {  	s1 =	rddreg [dreg:$0x2]  }
0x4: {  	s3 =	rddreg [dreg:$0x3];
	s2 =	srdreg.scid  }
0x5: {  	s0 =	stileid.u32;
	s10 =	rddreg [dreg:$0x4]  }
0x6: {  	s13 =	simm.s32 $0xEB80;
	s14 =	simm.s32 $0xED80;
	s15 =	simm.s32 $0x2710  }
0x7: {  	s16 =	simm.s32 $0x7590;
	s17 =	simm.s32 $0x3;
	s18 =	simm.s32 $0x1  }
0x8: {  	s19 =	simm.s32 $0x2;
	s20 =	simm.s32 $0x9D00;
	s21 =	simm.s32 $0x4  }
0x9: {  	s22 =	simm.s32 $0xC410;
	s5 =	sand.u32 $0x1, s2;
	s4 =	sshll.u32 s0, $0x1  }
0xa: {  	s23 =	simm.s32 $0x5;
	s2 =	rddreg [dreg:$0x5];
	s6 =	sor.u32 s5, s4  }
0xb: {  	s4 =	simm.s32 $0x0;
	s5 =	ssub.s32 $0x2, s5;
	s6 =	smul.u32 $0x4E20, s6  }
0xc: {  	s24 =	simm.s32 $0x0;
	[smem:$0x7FF] =	sst s4;
	s9 =	sshrl.u32 s5, $0x1  }
0xd: {  	_ =	strace $0x80000047;
	s11 =	ssub.s32 s5, s9;
	s31 =	sshrl.u32 s6, $0x3  }
0xe: {  	s11 =	smax.u32 s11, $0x1;
	s5 =	sadd.s32 s7, s31;
	s12 =	sadd.s32 $0x4E2, s31  }
0xf: {  	s6 =	sadd.s32 s8, s31;
	s9 =	sadd.s32 s10, s31;
	s7 =	sadd.s32 s7, s12  }
0x10: {  	s8 =	sadd.s32 s8, s12;
	s10 =	sadd.s32 s10, s12;
	s12 =	simm.s32 $0x4E80  }
.LBB2_1:
0x11: {  	[tilespmem:s4], [sflag:$0x1] =	stream.linear.gather [hbm4b:s5+s4], $0x2710, $0x38;
	[tilespmem:$0xEF80] =	vst v63  }
0x12: {  	_ = 	snop  }
0x13: {  	[tilespmem:s12], [sflag:$0x2] =	stream.linear.gather [hbm4b:s6+s4], $0x2710, $0x38;
	[tilespmem:$0xEF80] =	vst v63  }
0x14: {  	_ = 	snop  }
0x15: {  	[tilespmem:s13], [sflag:$0x3] =	stream.linear.gather [hbm4b:s1+s4], $0x200, $0x38;
	[tilespmem:$0xEF80] =	vst v63  }
0x16: {  	_ = 	snop  }
0x17: {  	[tilespmem:s14], [sflag:$0x3] =	stream.linear.gather [hbm4b:s3+s4], $0x200, $0x38;
	[tilespmem:$0xEF80] =	vst v63  }
0x18: {  	_ = 	snop  }
0x19: {  	[tilespmem:s15], [sflag:$0x1] =	stream.linear.gather [hbm4b:s7+s4], $0x2710, $0x38;
	[tilespmem:$0xEF80] =	vst v63  }
0x1a: {  	_ = 	snop  }
0x1b: {  	[tilespmem:s16], [sflag:$0x2] =	stream.linear.gather [hbm4b:s8+s4], $0x2710, $0x38;
	[tilespmem:$0xEF80] =	vst v63  }
0x1c: {  	_ =	swait.ge [sflag:s17], $0x200  }
0x1d: {  	[sflag:s17] =	ssyncset.done $0x0  }
0x1e: {  	[sflag:s17] =	ssyncadd.s32 $0xFFFFFE00  }
0x1f: {  	_ =	swait.ge [sflag:s17], $0x200  }
0x20: {  	[sflag:s17] =	ssyncset.done $0x0  }
0x21: {  	[sflag:s17] =	ssyncadd.s32 $0xFFFFFE00  }
0x22: {  	_ =	swait.ge [sflag:s18], $0x2710  }
0x23: {  	[sflag:s18] =	ssyncset.done $0x0  }
0x24: {  	[sflag:s18] =	ssyncadd.s32 $0xFFFFD8F0  }
0x25: {  	_ =	swait.ge [sflag:s19], $0x2710  }
0x26: {  	[sflag:s19] =	ssyncset.done $0x0  }
0x27: {  	s25 =	simm.s32 $0x4EC0;
	[sflag:s19] =	ssyncadd.s32 $0xFFFFD8F0  }
0x28: {  	v0 =	vld [tilespmem:s25+$0x30]  }
0x29: {  	v1 =	vld [tilespmem:s25+$0xFFFFFFD0]  }
0x2a: {  	v2 =	vld [tilespmem:s25+$0xFFFFFFE0]  }
0x2b: {  	v4 =	vld [tilespmem:s25+$0xFFFFFFF0]  }
0x2c: {  	v6 =	vld [tilespmem:s25+$0x0]  }
0x2d: {  	v9 =	vld [tilespmem:s25+$0x10]  }
0x2e: {  	v11 =	vld [tilespmem:s25+$0x20]  }
0x2f: {  	v3 =	vld [tilespmem:s25+$0xFFFFFFC0];
	s25 =	simm.s32 $0x40  }
0x30: {  	v7 =	vld [tilespmem:s25+$0x30]  }
0x31: {  	v18 =	vld [tilespmem:s25+$0xFFFFFFC0]  }
0x32: {  	v19 =	vld [tilespmem:s25+$0xFFFFFFD0]  }
0x33: {  	v20 =	vld [tilespmem:s25+$0xFFFFFFE0]  }
0x34: {  	v21 =	vld [tilespmem:s25+$0xFFFFFFF0]  }
0x35: {  	v22 =	vld [tilespmem:s25+$0x0]  }
0x36: {  	v23 =	vld [tilespmem:s25+$0x10]  }
0x37: {  	v24 =	vld [tilespmem:s25+$0x20]  }
0x38: {  	v5 =	vld.idx.msk [tilespmem:v0+s13+$0x0], $0xffff  }
0x39: {  	v0 =	vld.idx.msk [tilespmem:v0+s14+$0x0], $0xffff  }
0x3a: {  	v8 =	vld.idx.msk [tilespmem:v1+s13+$0x0], $0xffff  }
0x3b: {  	v12 =	vld.idx.msk [tilespmem:v2+s13+$0x0], $0xffff  }
0x3c: {  	v13 =	vld.idx.msk [tilespmem:v4+s13+$0x0], $0xffff  }
0x3d: {  	v14 =	vld.idx.msk [tilespmem:v6+s13+$0x0], $0xffff  }
0x3e: {  	v15 =	vld.idx.msk [tilespmem:v3+s13+$0x0], $0xffff  }
0x3f: {  	v16 =	vld.idx.msk [tilespmem:v9+s13+$0x0], $0xffff  }
0x40: {  	v17 =	vld.idx.msk [tilespmem:v11+s13+$0x0], $0xffff  }
0x41: {  	v25 =	vld.idx.msk [tilespmem:v3+s14+$0x0], $0xffff  }
0x42: {  	v10 =	vld.idx.msk [tilespmem:v1+s14+$0x0], $0xffff  }
0x43: {  	v3 =	vld.idx.msk [tilespmem:v2+s14+$0x0], $0xffff  }
0x44: {  	v9 =	vld.idx.msk [tilespmem:v9+s14+$0x0], $0xffff;
	v5 =	vmul.f32 v7, v5  }
0x45: {  	v15 =	vmul.f32 v18, v15;
	v7 =	vld.idx.msk [tilespmem:v6+s14+$0x0], $0xffff  }
0x46: {  	v8 =	vmul.f32 v19, v8;
	v6 =	vmul.f32 v21, v13;
	v0 =	vadd.f32 v5, v0;
	v5 =	vld.idx.msk [tilespmem:v4+s14+$0x0], $0xffff  }
0x47: {  	s26 =	simm.s32 $0x9D40;
	v11 =	vld.idx.msk [tilespmem:v11+s14+$0x0], $0xffff;
	v1 =	vmul.f32 v22, v14;
	v2 =	vmul.f32 v23, v16  }
0x48: {  	s28 =	simm.s32 $0x0;
	s29 =	simm.s32 $0x4F40;
	v4 =	vmul.f32 v20, v12;
	v12 =	vadd.f32 v15, v25;
	[tilespmem:s26+$0x30] =	vst v0;
	v0 =	vmul.f32 v24, v17  }
.LBB2_2:
0x49: {  	v13 =	vld [tilespmem:s29+$0x30];
	s28 =	sadd.s32 $0x80, s28;
	v8 =	vadd.f32 v8, v10  }
0x4a: {  	v3 =	vadd.f32 v4, v3;
	v10 =	vld [tilespmem:s29+$0xFFFFFFD0];
	p0 =	slt.u32 s28, $0x2680;
	[tilespmem:s26+$0xFFFFFFC0] =	vst v12  }
0x4b: {  	v4 =	vadd.f32 v6, v5;
	v12 =	vld [tilespmem:s29+$0xFFFFFFE0];
	[tilespmem:s26+$0xFFFFFFD0] =	vst v8  }
0x4c: {  	v1 =	vadd.f32 v1, v7;
	v5 =	vld [tilespmem:s29+$0xFFFFFFF0];
	[tilespmem:s26+$0xFFFFFFE0] =	vst v3  }
0x4d: {  	v2 =	vadd.f32 v2, v9;
	v7 =	vld [tilespmem:s29+$0x0];
	[tilespmem:s26+$0xFFFFFFF0] =	vst v4  }
0x4e: {  	v0 =	vadd.f32 v0, v11;
	v9 =	vld [tilespmem:s29+$0x10];
	[tilespmem:s26+$0x0] =	vst v1  }
0x4f: {  	v11 =	vld [tilespmem:s29+$0x20];
	[tilespmem:s26+$0x10] =	vst v2  }
0x50: {  	v1 =	vld [tilespmem:s29+$0xFFFFFFC0];
	[tilespmem:s26+$0x20] =	vst v0  }
0x51: {  	s25 =	sadd.s32 $0x80, s25;
	v0 =	vld.idx.msk [tilespmem:v13+s13+$0x0], $0xffff  }
0x52: {  	v2 =	vld [tilespmem:s25+$0x30]  }
0x53: {  	v3 =	vld.idx.msk [tilespmem:v13+s14+$0x0], $0xffff  }
0x54: {  	v4 =	vld.idx.msk [tilespmem:v10+s13+$0x0], $0xffff  }
0x55: {  	v6 =	vld.idx.msk [tilespmem:v12+s13+$0x0], $0xffff  }
0x56: {  	v13 =	vld.idx.msk [tilespmem:v5+s13+$0x0], $0xffff  }
0x57: {  	v14 =	vld.idx.msk [tilespmem:v7+s13+$0x0], $0xffff;
	v0 =	vmul.f32 v2, v0  }
0x58: {  	v2 =	vld.idx.msk [tilespmem:v1+s13+$0x0], $0xffff  }
0x59: {  	v15 =	vld.idx.msk [tilespmem:v9+s13+$0x0], $0xffff;
	v0 =	vadd.f32 v0, v3  }
0x5a: {  	s26 =	sadd.s32 $0x80, s26;
	v16 =	vld.idx.msk [tilespmem:v11+s13+$0x0], $0xffff  }
0x5b: {  	v3 =	vld [tilespmem:s25+$0xFFFFFFC0];
	[tilespmem:s26+$0x30] =	vst v0  }
0x5c: {  	v0 =	vld [tilespmem:s25+$0xFFFFFFD0]  }
0x5d: {  	v17 =	vld [tilespmem:s25+$0xFFFFFFE0]  }
0x5e: {  	v18 =	vld [tilespmem:s25+$0xFFFFFFF0]  }
0x5f: {  	v19 =	vld [tilespmem:s25+$0x0]  }
0x60: {  	v20 =	vmul.f32 v3, v2;
	v2 =	vld [tilespmem:s25+$0x10]  }
0x61: {  	v8 =	vmul.f32 v0, v4;
	v0 =	vld [tilespmem:s25+$0x20]  }
0x62: {  	v21 =	vld.idx.msk [tilespmem:v1+s14+$0x0], $0xffff;
	v4 =	vmul.f32 v17, v6  }
0x63: {  	v10 =	vld.idx.msk [tilespmem:v10+s14+$0x0], $0xffff;
	v6 =	vmul.f32 v18, v13  }
.Ltmp0:
0x64: {  	v3 =	vld.idx.msk [tilespmem:v12+s14+$0x0], $0xffff;
	v1 =	vmul.f32 v19, v14;
	(pc) =	sbr.rel @p0 .LBB2_2-.Ltmp0, $4  }
0x65: {  	v5 =	vld.idx.msk [tilespmem:v5+s14+$0x0], $0xffff;
	v2 =	vmul.f32 v2, v15  }
0x66: {  	v7 =	vld.idx.msk [tilespmem:v7+s14+$0x0], $0xffff;
	v0 =	vmul.f32 v0, v16  }
0x67: {  	v9 =	vld.idx.msk [tilespmem:v9+s14+$0x0], $0xffff  }
0x68: {  	s29 =	sadd.s32 $0x80, s29;
	v12 =	vadd.f32 v20, v21;
	v11 =	vld.idx.msk [tilespmem:v11+s14+$0x0], $0xffff  }
0x69: {  	v8 =	vadd.f32 v8, v10  }
0x6a: {  	v3 =	vadd.f32 v4, v3;
	[tilespmem:s26+$0xFFFFFFC0] =	vst v12  }
0x6b: {  	v4 =	vadd.f32 v6, v5;
	[tilespmem:s26+$0xFFFFFFD0] =	vst v8  }
0x6c: {  	[tilespmem:s26+$0xFFFFFFE0] =	vst v3;
	v1 =	vadd.f32 v1, v7  }
0x6d: {  	[tilespmem:s26+$0xFFFFFFF0] =	vst v4;
	v2 =	vadd.f32 v2, v9  }
0x6e: {  	[tilespmem:s26+$0x0] =	vst v1;
	v0 =	vadd.f32 v0, v11  }
0x6f: {  	[tilespmem:s26+$0x10] =	vst v2  }
0x70: {  	[tilespmem:s26+$0x20] =	vst v0  }
0x71: {  	v0 =	vld [tilespmem:$0x7580];
	_ =	sdelay $0x6  }
0x72: {  	v2 =	vld [tilespmem:$0x2700]  }
0x73: {  	v1 =	vld.idx.msk [tilespmem:v0+s13+$0x0], $0xffff;
	_ =	sdelay $0x1  }
0x74: {  	v0 =	vld.idx.msk [tilespmem:v0+s14+$0x0], $0xffff;
	_ =	sdelay $0x2  }
0x75: {  	v1 =	vmul.f32 v2, v1;
	_ =	sdelay $0x1  }
0x76: {  	v0 =	vadd.f32 v1, v0;
	_ =	sdelay $0x1  }
0x77: {  	[tilespmem:$0xC400] =	vst v0  }
0x78: {  	[hbm4b:s9+s4] =	stream.linear.scatter [tilespmem:s20], [sflag:$0x4], $0x2710, $0x38;
	[tilespmem:$0xEF80] =	vst v63  }
0x79: {  	_ =	swait.ge [sflag:s18], $0x2710  }
0x7a: {  	[sflag:s18] =	ssyncset.done $0x0  }
0x7b: {  	[sflag:s18] =	ssyncadd.s32 $0xFFFFD8F0  }
0x7c: {  	_ =	swait.ge [sflag:s19], $0x2710  }
0x7d: {  	[sflag:s19] =	ssyncset.done $0x0  }
0x7e: {  	s25 =	simm.s32 $0x7600;
	[sflag:s19] =	ssyncadd.s32 $0xFFFFD8F0  }
0x7f: {  	v0 =	vld [tilespmem:s25+$0x0]  }
0x80: {  	v1 =	vld [tilespmem:s25+$0xFFFFFFA0]  }
0x81: {  	v2 =	vld [tilespmem:s25+$0xFFFFFFB0]  }
0x82: {  	v4 =	vld [tilespmem:s25+$0xFFFFFFC0]  }
0x83: {  	v6 =	vld [tilespmem:s25+$0xFFFFFFD0]  }
0x84: {  	v9 =	vld [tilespmem:s25+$0xFFFFFFE0]  }
0x85: {  	v11 =	vld [tilespmem:s25+$0xFFFFFFF0]  }
0x86: {  	v3 =	vld [tilespmem:s25+$0xFFFFFF90];
	s25 =	simm.s32 $0x2780  }
0x87: {  	v7 =	vld [tilespmem:s25+$0x0]  }
0x88: {  	v18 =	vld [tilespmem:s25+$0xFFFFFF90]  }
0x89: {  	v19 =	vld [tilespmem:s25+$0xFFFFFFA0]  }
0x8a: {  	v20 =	vld [tilespmem:s25+$0xFFFFFFB0]  }
0x8b: {  	v21 =	vld [tilespmem:s25+$0xFFFFFFC0]  }
0x8c: {  	v22 =	vld [tilespmem:s25+$0xFFFFFFD0]  }
0x8d: {  	v23 =	vld [tilespmem:s25+$0xFFFFFFE0]  }
0x8e: {  	v24 =	vld [tilespmem:s25+$0xFFFFFFF0]  }
0x8f: {  	v5 =	vld.idx.msk [tilespmem:v0+s13+$0x0], $0xffff  }
0x90: {  	v0 =	vld.idx.msk [tilespmem:v0+s14+$0x0], $0xffff  }
0x91: {  	v8 =	vld.idx.msk [tilespmem:v1+s13+$0x0], $0xffff  }
0x92: {  	v12 =	vld.idx.msk [tilespmem:v2+s13+$0x0], $0xffff  }
0x93: {  	v13 =	vld.idx.msk [tilespmem:v4+s13+$0x0], $0xffff  }
0x94: {  	v14 =	vld.idx.msk [tilespmem:v6+s13+$0x0], $0xffff  }
0x95: {  	v15 =	vld.idx.msk [tilespmem:v3+s13+$0x0], $0xffff  }
0x96: {  	v16 =	vld.idx.msk [tilespmem:v9+s13+$0x0], $0xffff  }
0x97: {  	v17 =	vld.idx.msk [tilespmem:v11+s13+$0x0], $0xffff  }
0x98: {  	v25 =	vld.idx.msk [tilespmem:v3+s14+$0x0], $0xffff  }
0x99: {  	v10 =	vld.idx.msk [tilespmem:v1+s14+$0x0], $0xffff  }
0x9a: {  	v3 =	vld.idx.msk [tilespmem:v2+s14+$0x0], $0xffff  }
0x9b: {  	v9 =	vld.idx.msk [tilespmem:v9+s14+$0x0], $0xffff;
	v5 =	vmul.f32 v7, v5  }
0x9c: {  	v15 =	vmul.f32 v18, v15;
	v7 =	vld.idx.msk [tilespmem:v6+s14+$0x0], $0xffff  }
0x9d: {  	v8 =	vmul.f32 v19, v8;
	v6 =	vmul.f32 v21, v13;
	v0 =	vadd.f32 v5, v0;
	v5 =	vld.idx.msk [tilespmem:v4+s14+$0x0], $0xffff  }
0x9e: {  	s26 =	simm.s32 $0xC480;
	v11 =	vld.idx.msk [tilespmem:v11+s14+$0x0], $0xffff;
	v1 =	vmul.f32 v22, v14;
	v2 =	vmul.f32 v23, v16  }
0x9f: {  	s28 =	simm.s32 $0x2710;
	s29 =	simm.s32 $0x7680;
	v4 =	vmul.f32 v20, v12;
	v12 =	vadd.f32 v15, v25;
	[tilespmem:s26+$0x0] =	vst v0;
	v0 =	vmul.f32 v24, v17  }
.LBB2_4:
0xa0: {  	v13 =	vld [tilespmem:s29+$0x0];
	s28 =	sadd.s32 $0x80, s28;
	v8 =	vadd.f32 v8, v10  }
0xa1: {  	v3 =	vadd.f32 v4, v3;
	v10 =	vld [tilespmem:s29+$0xFFFFFFA0];
	p0 =	slt.u32 s28, $0x4D90;
	[tilespmem:s26+$0xFFFFFF90] =	vst v12  }
0xa2: {  	v4 =	vadd.f32 v6, v5;
	v12 =	vld [tilespmem:s29+$0xFFFFFFB0];
	[tilespmem:s26+$0xFFFFFFA0] =	vst v8  }
0xa3: {  	v1 =	vadd.f32 v1, v7;
	v5 =	vld [tilespmem:s29+$0xFFFFFFC0];
	[tilespmem:s26+$0xFFFFFFB0] =	vst v3  }
0xa4: {  	v2 =	vadd.f32 v2, v9;
	v7 =	vld [tilespmem:s29+$0xFFFFFFD0];
	[tilespmem:s26+$0xFFFFFFC0] =	vst v4  }
0xa5: {  	v0 =	vadd.f32 v0, v11;
	v9 =	vld [tilespmem:s29+$0xFFFFFFE0];
	[tilespmem:s26+$0xFFFFFFD0] =	vst v1  }
0xa6: {  	v11 =	vld [tilespmem:s29+$0xFFFFFFF0];
	[tilespmem:s26+$0xFFFFFFE0] =	vst v2  }
0xa7: {  	v1 =	vld [tilespmem:s29+$0xFFFFFF90];
	[tilespmem:s26+$0xFFFFFFF0] =	vst v0  }
0xa8: {  	s25 =	sadd.s32 $0x80, s25;
	v0 =	vld.idx.msk [tilespmem:v13+s13+$0x0], $0xffff  }
0xa9: {  	v2 =	vld [tilespmem:s25+$0x0]  }
0xaa: {  	v3 =	vld.idx.msk [tilespmem:v13+s14+$0x0], $0xffff  }
0xab: {  	v4 =	vld.idx.msk [tilespmem:v10+s13+$0x0], $0xffff  }
0xac: {  	v6 =	vld.idx.msk [tilespmem:v12+s13+$0x0], $0xffff  }
0xad: {  	v13 =	vld.idx.msk [tilespmem:v5+s13+$0x0], $0xffff  }
0xae: {  	v14 =	vld.idx.msk [tilespmem:v7+s13+$0x0], $0xffff;
	v0 =	vmul.f32 v2, v0  }
0xaf: {  	v2 =	vld.idx.msk [tilespmem:v1+s13+$0x0], $0xffff  }
0xb0: {  	v15 =	vld.idx.msk [tilespmem:v9+s13+$0x0], $0xffff;
	v0 =	vadd.f32 v0, v3  }
0xb1: {  	s26 =	sadd.s32 $0x80, s26;
	v16 =	vld.idx.msk [tilespmem:v11+s13+$0x0], $0xffff  }
0xb2: {  	v3 =	vld [tilespmem:s25+$0xFFFFFF90];
	[tilespmem:s26+$0x0] =	vst v0  }
0xb3: {  	v0 =	vld [tilespmem:s25+$0xFFFFFFA0]  }
0xb4: {  	v17 =	vld [tilespmem:s25+$0xFFFFFFB0]  }
0xb5: {  	v18 =	vld [tilespmem:s25+$0xFFFFFFC0]  }
0xb6: {  	v19 =	vld [tilespmem:s25+$0xFFFFFFD0]  }
0xb7: {  	v20 =	vmul.f32 v3, v2;
	v2 =	vld [tilespmem:s25+$0xFFFFFFE0]  }
0xb8: {  	v8 =	vmul.f32 v0, v4;
	v0 =	vld [tilespmem:s25+$0xFFFFFFF0]  }
0xb9: {  	v21 =	vld.idx.msk [tilespmem:v1+s14+$0x0], $0xffff;
	v4 =	vmul.f32 v17, v6  }
0xba: {  	v10 =	vld.idx.msk [tilespmem:v10+s14+$0x0], $0xffff;
	v6 =	vmul.f32 v18, v13  }
.Ltmp1:
0xbb: {  	v3 =	vld.idx.msk [tilespmem:v12+s14+$0x0], $0xffff;
	v1 =	vmul.f32 v19, v14;
	(pc) =	sbr.rel @p0 .LBB2_4-.Ltmp1, $4  }
0xbc: {  	v5 =	vld.idx.msk [tilespmem:v5+s14+$0x0], $0xffff;
	v2 =	vmul.f32 v2, v15  }
0xbd: {  	v7 =	vld.idx.msk [tilespmem:v7+s14+$0x0], $0xffff;
	v0 =	vmul.f32 v0, v16  }
0xbe: {  	v9 =	vld.idx.msk [tilespmem:v9+s14+$0x0], $0xffff  }
0xbf: {  	s29 =	sadd.s32 $0x80, s29;
	v12 =	vadd.f32 v20, v21;
	v11 =	vld.idx.msk [tilespmem:v11+s14+$0x0], $0xffff  }
0xc0: {  	v8 =	vadd.f32 v8, v10  }
0xc1: {  	v3 =	vadd.f32 v4, v3;
	[tilespmem:s26+$0xFFFFFF90] =	vst v12  }
0xc2: {  	v63 =	vadd.f32 v6, v5;
	[tilespmem:s26+$0xFFFFFFA0] =	vst v8  }
0xc3: {  	[tilespmem:s26+$0xFFFFFFB0] =	vst v3;
	v1 =	vadd.f32 v1, v7  }
0xc4: {  	[tilespmem:s26+$0xFFFFFFC0] =	vst v63;
	v2 =	vadd.f32 v2, v9  }
0xc5: {  	[tilespmem:s26+$0xFFFFFFD0] =	vst v1;
	v0 =	vadd.f32 v0, v11  }
0xc6: {  	[tilespmem:s26+$0xFFFFFFE0] =	vst v2  }
0xc7: {  	[tilespmem:s26+$0xFFFFFFF0] =	vst v0  }
0xc8: {  	v0 =	vld [tilespmem:$0x9C90];
	_ =	sdelay $0x6  }
0xc9: {  	v2 =	vld [tilespmem:$0x4E10]  }
0xca: {  	v1 =	vld.idx.msk [tilespmem:v0+s13+$0x0], $0xffff;
	_ =	sdelay $0x1  }
0xcb: {  	v0 =	vld.idx.msk [tilespmem:v0+s14+$0x0], $0xffff;
	_ =	sdelay $0x2  }
0xcc: {  	v1 =	vmul.f32 v2, v1;
	_ =	sdelay $0x1  }
0xcd: {  	v0 =	vadd.f32 v1, v0;
	_ =	sdelay $0x1  }
0xce: {  	[tilespmem:$0xEB10] =	vst v0  }
0xcf: {  	s24 =	sadd.s32 $0x1, s24;
	_ =	swait.ge [sflag:s21], $0x2710  }
0xd0: {  	p0 =	sne.s32 s24, s11;
	[sflag:s21] =	ssyncset.done $0x0  }
.Ltmp2:
0xd1: {  	[sflag:s21] =	ssyncadd.s32 $0xFFFFD8F0;
	(pc) =	sbr.rel @p0 .LBB2_1-.Ltmp2, $4  }
0xd2: {  	[hbm4b:s10+s4] =	stream.linear.scatter [tilespmem:s22], [sflag:$0x5], $0x2710, $0x38;
	[tilespmem:$0xEF80] =	vst v63  }
0xd3: {  	_ =	swait.ge [sflag:s23], $0x2710  }
0xd4: {  	[sflag:s23] =	ssyncset.done $0x0  }
0xd5: {  	[sflag:s23] =	ssyncadd.s32 $0xFFFFD8F0  }
0xd6: {  	_ =	sfence.sel $0x180000  }
0xd7: {  	[bflag:$0x0] =	sbarrier.arrive $0xFFFF  }
0xd8: {  	p0 =	sne.s32 s0, $0x0;
	_ =	strace $0x90000047  }
0xd9: {  	s0 =	sadd.s32 @!p0 $0x100000, s2;
	[bflag:$0x2] =	sbarrier.arrive $0xFFFF  }
0xda: {  	[sflag:s0] =	ssyncadd.tile.s32 @!p0 $0x1;
	_ =	shalt  }
.Lfunc_end2:
_tile_overlayer_lowered:
.L_overlay_start_2:
0xdb: {  	(tag) =	ssettag $0x2  }
0xdc: {  	s0 =	rddreg [dreg:$0x0];
	s2 =	stileid.u32  }
0xdd: {  	s1 =	rddreg [dreg:$0x1];
	p0 =	sne.s32 s2, $0x0  }
0xde: {  	s3 =	rddreg [dreg:$0x2];
	[bflag:$0x3] =	sbarrier.arrive $0xFFFF;
	s2 =	simm.s32 @!p0 $0x1C05  }
0xdf: {  	[timem:s3], [sflag:s2] =	dma.local @!p0 [hbm:s0], s1  }
0xe0: {  	s0 =	simm.s32 @!p0 $0x5  }
0xe1: {  	_ =	swait.ge @!p0 [sflag:s0], s1  }
0xe2: {  	s1 =	ssub.s32 @!p0 $0x0, s1;
	[sflag:s0] =	ssyncset.done @!p0 $0x0  }
0xe3: {  	[sflag:s0] =	ssyncadd.s32 @!p0 s1  }
0xe4: {  	[bflag:$0x3] =	sbarrier.arrive $0xFFFF  }
0xe5: {  	_ =	shalt  }

</sc_bundles>
